<compile_context>
chip_gen: v7x
topology: tpu7x:2x2x1
jax: 0.10.2.dev20260603
libtpu: 0.0.44.dev20260713+nightly
codegen_flags: <defaults>
</compile_context>

<pallas_src>
import functools

import jax
import jax.numpy as jnp
from jax import lax
from jax.experimental import pallas as pl
from jax.experimental.pallas import tpu as pltpu
from jax.experimental.pallas import tpu_sc as plsc

EMBED_DIM = 64
HIDDEN_DIM = 256
IDX_CHUNK = 128


def _transpose_body(tt_ref, out_ref):
    z = tt_ref[...].T
    half = z.shape[0] // 2
    out_ref[...] = jnp.concatenate([z[:half], z[half:]], axis=1)


@functools.cache
def _transpose_fn(N: int, D: int, blk: int):
    grid = (N + blk - 1) // blk
    return pl.pallas_call(
        _transpose_body,
        grid=(grid,),
        in_specs=[
            pl.BlockSpec((D, blk), lambda i: (0, i)),
        ],
        out_specs=pl.BlockSpec((blk // 2, 2 * D), lambda i: (i, 0)),
        out_shape=jax.ShapeDtypeStruct((grid * (blk // 2), 2 * D), jnp.float32),
        compiler_params=pltpu.CompilerParams(vmem_limit_bytes=100 * 2**20),
    )


@functools.cache
def _gather_fn(B: int, N2: int, W: int):
    info = plsc.get_sparse_core_info()
    NC, NS = info.num_cores, info.num_subcores
    NW = NC * NS
    assert B % (NW * IDX_CHUNK) == 0
    n_chunks = B // (NW * IDX_CHUNK)
    b_per_w = n_chunks * IDX_CHUNK
    mesh = plsc.VectorSubcoreMesh(core_axis_name="c", subcore_axis_name="s")

    @functools.partial(
        pl.kernel,
        mesh=mesh,
        out_type=jax.ShapeDtypeStruct((B, W), jnp.float32),
        scratch_types=[
            pltpu.VMEM((n_chunks, IDX_CHUNK), jnp.int32),
            pltpu.VMEM((b_per_w, W), jnp.float32),
            pltpu.SemaphoreType.DMA,
        ],
    )
    def gather(idx_hbm, table_hbm, out_hbm, idx_v, rows_v, sem):
        wid = lax.axis_index("s") * NC + lax.axis_index("c")
        base = wid * b_per_w
        pltpu.sync_copy(idx_hbm.at[wid], idx_v)
        copies = []
        for c in range(n_chunks):
            copies.append(
                pltpu.async_copy(
                    table_hbm.at[idx_v.at[c]],
                    rows_v.at[pl.ds(c * IDX_CHUNK, IDX_CHUNK)],
                    sem,
                )
            )
        for cp in copies:
            cp.wait()
        pltpu.sync_copy(rows_v, out_hbm.at[pl.ds(base, b_per_w)])

    def run(idx_half, table2):
        idx3 = idx_half.reshape(NW, n_chunks, IDX_CHUNK)
        return gather(idx3, table2)

    return run


def _mlp_body(packed_ref, half_ref, w1_ref, b1_ref, w2_ref, b2_ref, out_ref):
    par = half_ref[...].astype(jnp.float32)
    p0 = packed_ref[:, :EMBED_DIM]
    p1 = packed_ref[:, EMBED_DIM:]
    emb = p0 * (1.0 - par) + p1 * par
    h = jnp.dot(emb, w1_ref[...], preferred_element_type=jnp.float32)
    h = jnp.maximum(h + b1_ref[...], 0.0)
    out_ref[...] = (
        jnp.dot(h, w2_ref[...], preferred_element_type=jnp.float32) + b2_ref[...]
    )


@functools.cache
def _mlp_fn(B: int, D: int, H: int, blk: int):
    grid = B // blk
    return pl.pallas_call(
        _mlp_body,
        grid=(grid,),
        in_specs=[
            pl.BlockSpec((blk, 2 * D), lambda i: (i, 0)),
            pl.BlockSpec((blk, 1), lambda i: (i, 0)),
            pl.BlockSpec((D, H), lambda i: (0, 0)),
            pl.BlockSpec((1, H), lambda i: (0, 0)),
            pl.BlockSpec((H, D), lambda i: (0, 0)),
            pl.BlockSpec((1, D), lambda i: (0, 0)),
        ],
        out_specs=pl.BlockSpec((blk, D), lambda i: (i, 0)),
        out_shape=jax.ShapeDtypeStruct((B, D), jnp.float32),
    )


def kernel(user_id, table, W1, b1, W2, b2):
    B = user_id.shape[0]
    N, D = table.shape
    H = W1.shape[1]
    blk = 32768
    idx = user_id.reshape(B).astype(jnp.int32)
    table2 = _transpose_fn(N, D, blk)(table.T)
    blk_i = idx // blk
    off = idx % blk
    packed_row = blk_i * (blk // 2) + off % (blk // 2)
    half = off // (blk // 2)
    packed = _gather_fn(B, table2.shape[0], 2 * D)(packed_row, table2)
    out = _mlp_fn(B, D, H, 2048)(
        packed,
        half.reshape(B, 1),
        W1,
        b1.reshape(1, H),
        W2,
        b2.reshape(1, D),
    )
    return out

# --- scband reference (transcript-rebuilt; emitter-appended) ---
"""Pipeline reference for scband-user-embedding-67757404062081 (READ-ONLY COPY).

The authoritative reference and input builder live on the scoring server;
editing this copy changes nothing except your own understanding.
"""

import jax, jax.numpy as jnp
import numpy as np

N_USERS = 1000000
EMBED_DIM = 64
HIDDEN_DIM = 256
BATCH = 16384


def setup_inputs(seed: int = 0) -> dict:
    key = jax.random.key(seed)
    k_idx, k_tab, k_w1, k_b1, k_w2, k_b2 = jax.random.split(key, 6)
    user_id = jax.random.randint(k_idx, (BATCH, 1), 0, N_USERS, dtype=jnp.int64 if jax.config.jax_enable_x64 else jnp.int32)
    table = jax.random.normal(k_tab, (N_USERS, EMBED_DIM), dtype=jnp.float32)
    # Linear layers: PyTorch stores weight as [out, in]; we keep [in, out] for x @ W
    W1 = jax.random.normal(k_w1, (EMBED_DIM, HIDDEN_DIM), dtype=jnp.float32) * (1.0 / np.sqrt(EMBED_DIM))
    b1 = jax.random.normal(k_b1, (HIDDEN_DIM,), dtype=jnp.float32) * 0.01
    W2 = jax.random.normal(k_w2, (HIDDEN_DIM, EMBED_DIM), dtype=jnp.float32) * (1.0 / np.sqrt(HIDDEN_DIM))
    b2 = jax.random.normal(k_b2, (EMBED_DIM,), dtype=jnp.float32) * 0.01
    return {"user_id": user_id, "table": table, "W1": W1, "b1": b1, "W2": W2, "b2": b2}


def reference(user_id, table, W1, b1, W2, b2):
    # emb = self.embedding(user_id).squeeze(1)
    emb = jnp.take(table, user_id, axis=0)          # [B, 1, embed_dim]
    emb = jnp.squeeze(emb, axis=1)                   # [B, embed_dim]
    # sequential: Linear -> ReLU -> Linear
    h = jnp.maximum(emb @ W1 + b1, 0.0)              # [B, hidden_dim]
    out = h @ W2 + b2                                # [B, embed_dim]
    return out

if __name__ == "__main__":
    import jax
    _d = setup_inputs()
    print(jax.jit(kernel)(*tuple(_d.values())))

</pallas_src>

<mosaic_0001>
#map = affine_map<(d0, d1) -> (0, 0, 0)>
#map1 = affine_map<(d0, d1) -> (0, 0)>
module attributes {stable_mosaic.version = 14 : i64} {
  func.func @gather(%arg0: i32, %arg1: i32, %arg2: memref<32x4x128xi32, #tpu.memory_space<hbm>>, %arg3: memref<507904x128xf32, #tpu.memory_space<hbm>>, %arg4: memref<16384x128xf32, #tpu.memory_space<hbm>>, %arg5: memref<4x128xi32, #tpu.memory_space<vmem>>, %arg6: memref<512x128xf32, #tpu.memory_space<vmem>>, %arg7: memref<!tpu.dma_semaphore, #tpu.memory_space<semaphore_mem>>) attributes {dimension_semantics = [#tpu.dimension_semantics<core_parallel>, #tpu.dimension_semantics<subcore_parallel>], iteration_bounds = array<i64: 2, 16>, scalar_prefetch = 0 : i64, scratch_operands = 3 : i64, tpu.core_type = #tpu.core_type<sc_vector_subcore>, window_params = [{transform_indices = #map}, {transform_indices = #map1}, {transform_indices = #map1}]} {
    %mul3A = arith.constant 2 : i32
    %mul3A_0 = arith.muli %arg1, %mul3A : i32
    %add3A = arith.addi %mul3A_0, %arg0 : i32
    %mul3A_1 = arith.constant 512 : i32
    %mul3A_2 = arith.muli %add3A, %mul3A_1 : i32
    "tpu.region"() ({
      %run_scoped3A = tpu.sem_alloc : memref<!tpu.dma_semaphore, #tpu.memory_space<semaphore_mem>>
      %dma_start3A_81 = arith.constant 0 : i32
      %dma_start3A_82 = arith.constant 0 : i32
      %dma_start3A_83 = tpu.memref_slice %arg2[%add3A, %dma_start3A_81, %dma_start3A_82] : memref<32x4x128xi32, #tpu.memory_space<hbm>> -> memref<1x4x128xi32, #tpu.memory_space<hbm>>
      %dma_start3A_84 = tpu.memref_squeeze %dma_start3A_83 : memref<1x4x128xi32, #tpu.memory_space<hbm>> -> memref<4x128xi32, #tpu.memory_space<hbm>>
      %dma_start3A_85 = arith.constant 0 : i32
      %dma_start3A_86 = arith.constant 0 : i32
      %dma_start3A_87 = tpu.memref_slice %arg2[%add3A, %dma_start3A_85, %dma_start3A_86] : memref<32x4x128xi32, #tpu.memory_space<hbm>> -> memref<1x4x128xi32, #tpu.memory_space<hbm>>
      %dma_start3A_88 = tpu.memref_squeeze %dma_start3A_87 : memref<1x4x128xi32, #tpu.memory_space<hbm>> -> memref<4x128xi32, #tpu.memory_space<hbm>>
      tpu.enqueue_dma source(%dma_start3A_88 : memref<4x128xi32, #tpu.memory_space<hbm>>) target(%arg5 : memref<4x128xi32, #tpu.memory_space<vmem>>) target_semaphore(%run_scoped3A : memref<!tpu.dma_semaphore, #tpu.memory_space<semaphore_mem>>)
      %dma_wait3A_89 = arith.constant 0 : i32
      %dma_wait3A_90 = arith.constant 0 : i32
      %dma_wait3A_91 = tpu.memref_slice %arg2[%add3A, %dma_wait3A_89, %dma_wait3A_90] : memref<32x4x128xi32, #tpu.memory_space<hbm>> -> memref<1x4x128xi32, #tpu.memory_space<hbm>>
      %dma_wait3A_92 = tpu.memref_squeeze %dma_wait3A_91 : memref<1x4x128xi32, #tpu.memory_space<hbm>> -> memref<4x128xi32, #tpu.memory_space<hbm>>
      %dma_wait3A_93 = arith.constant 0 : i32
      %dma_wait3A_94 = arith.constant 0 : i32
      %dma_wait3A_95 = tpu.memref_slice %arg2[%add3A, %dma_wait3A_93, %dma_wait3A_94] : memref<32x4x128xi32, #tpu.memory_space<hbm>> -> memref<1x4x128xi32, #tpu.memory_space<hbm>>
      %dma_wait3A_96 = tpu.memref_squeeze %dma_wait3A_95 : memref<1x4x128xi32, #tpu.memory_space<hbm>> -> memref<4x128xi32, #tpu.memory_space<hbm>>
      tpu.wait_dma2 semaphore(%run_scoped3A : memref<!tpu.dma_semaphore, #tpu.memory_space<semaphore_mem>>) src(%dma_wait3A_96 : memref<4x128xi32, #tpu.memory_space<hbm>>) dst(%arg5 : memref<4x128xi32, #tpu.memory_space<vmem>>)
      tpu.yield
    }) : () -> ()
    %dma_start3A = arith.constant 0 : i32
    %dma_start3A_3 = arith.constant 0 : i32
    %dma_start3A_4 = arith.constant 0 : i32
    %dma_start3A_5 = tpu.memref_slice %arg6[%dma_start3A_3, %dma_start3A_4] : memref<512x128xf32, #tpu.memory_space<vmem>> -> memref<128x128xf32, #tpu.memory_space<vmem>>
    %dma_start3A_6 = arith.constant 0 : i32
    %dma_start3A_7 = tpu.memref_slice %arg5[%dma_start3A, %dma_start3A_6] : memref<4x128xi32, #tpu.memory_space<vmem>> -> memref<1x128xi32, #tpu.memory_space<vmem>>
    %dma_start3A_8 = tpu.memref_squeeze %dma_start3A_7 : memref<1x128xi32, #tpu.memory_space<vmem>> -> memref<128xi32, #tpu.memory_space<vmem>>
    %dma_start3A_9 = arith.constant 0 : i32
    %dma_start3A_10 = arith.constant 0 : i32
    %dma_start3A_11 = tpu.memref_slice %arg3[%dma_start3A_9, %dma_start3A_10] : memref<507904x128xf32, #tpu.memory_space<hbm>> -> memref<507904x128xf32, #tpu.memory_space<hbm>>
    tpu.enqueue_indirect_dma source(%dma_start3A_11 : memref<507904x128xf32, #tpu.memory_space<hbm>>) target(%dma_start3A_5 : memref<128x128xf32, #tpu.memory_space<vmem>>) offsets(%dma_start3A_8 : memref<128xi32, #tpu.memory_space<vmem>>) semaphore(%arg7 : memref<!tpu.dma_semaphore, #tpu.memory_space<semaphore_mem>>)
    %dma_start3A_12 = arith.constant 1 : i32
    %dma_start3A_13 = arith.constant 128 : i32
    %dma_start3A_14 = arith.constant 0 : i32
    %dma_start3A_15 = tpu.memref_slice %arg6[%dma_start3A_13, %dma_start3A_14] : memref<512x128xf32, #tpu.memory_space<vmem>> -> memref<128x128xf32, #tpu.memory_space<vmem>>
    %dma_start3A_16 = arith.constant 0 : i32
    %dma_start3A_17 = tpu.memref_slice %arg5[%dma_start3A_12, %dma_start3A_16] : memref<4x128xi32, #tpu.memory_space<vmem>> -> memref<1x128xi32, #tpu.memory_space<vmem>>
    %dma_start3A_18 = tpu.memref_squeeze %dma_start3A_17 : memref<1x128xi32, #tpu.memory_space<vmem>> -> memref<128xi32, #tpu.memory_space<vmem>>
    %dma_start3A_19 = arith.constant 0 : i32
    %dma_start3A_20 = arith.constant 0 : i32
    %dma_start3A_21 = tpu.memref_slice %arg3[%dma_start3A_19, %dma_start3A_20] : memref<507904x128xf32, #tpu.memory_space<hbm>> -> memref<507904x128xf32, #tpu.memory_space<hbm>>
    tpu.enqueue_indirect_dma source(%dma_start3A_21 : memref<507904x128xf32, #tpu.memory_space<hbm>>) target(%dma_start3A_15 : memref<128x128xf32, #tpu.memory_space<vmem>>) offsets(%dma_start3A_18 : memref<128xi32, #tpu.memory_space<vmem>>) semaphore(%arg7 : memref<!tpu.dma_semaphore, #tpu.memory_space<semaphore_mem>>)
    %dma_start3A_22 = arith.constant 2 : i32
    %dma_start3A_23 = arith.constant 256 : i32
    %dma_start3A_24 = arith.constant 0 : i32
    %dma_start3A_25 = tpu.memref_slice %arg6[%dma_start3A_23, %dma_start3A_24] : memref<512x128xf32, #tpu.memory_space<vmem>> -> memref<128x128xf32, #tpu.memory_space<vmem>>
    %dma_start3A_26 = arith.constant 0 : i32
    %dma_start3A_27 = tpu.memref_slice %arg5[%dma_start3A_22, %dma_start3A_26] : memref<4x128xi32, #tpu.memory_space<vmem>> -> memref<1x128xi32, #tpu.memory_space<vmem>>
    %dma_start3A_28 = tpu.memref_squeeze %dma_start3A_27 : memref<1x128xi32, #tpu.memory_space<vmem>> -> memref<128xi32, #tpu.memory_space<vmem>>
    %dma_start3A_29 = arith.constant 0 : i32
    %dma_start3A_30 = arith.constant 0 : i32
    %dma_start3A_31 = tpu.memref_slice %arg3[%dma_start3A_29, %dma_start3A_30] : memref<507904x128xf32, #tpu.memory_space<hbm>> -> memref<507904x128xf32, #tpu.memory_space<hbm>>
    tpu.enqueue_indirect_dma source(%dma_start3A_31 : memref<507904x128xf32, #tpu.memory_space<hbm>>) target(%dma_start3A_25 : memref<128x128xf32, #tpu.memory_space<vmem>>) offsets(%dma_start3A_28 : memref<128xi32, #tpu.memory_space<vmem>>) semaphore(%arg7 : memref<!tpu.dma_semaphore, #tpu.memory_space<semaphore_mem>>)
    %dma_start3A_32 = arith.constant 3 : i32
    %dma_start3A_33 = arith.constant 384 : i32
    %dma_start3A_34 = arith.constant 0 : i32
    %dma_start3A_35 = tpu.memref_slice %arg6[%dma_start3A_33, %dma_start3A_34] : memref<512x128xf32, #tpu.memory_space<vmem>> -> memref<128x128xf32, #tpu.memory_space<vmem>>
    %dma_start3A_36 = arith.constant 0 : i32
    %dma_start3A_37 = tpu.memref_slice %arg5[%dma_start3A_32, %dma_start3A_36] : memref<4x128xi32, #tpu.memory_space<vmem>> -> memref<1x128xi32, #tpu.memory_space<vmem>>
    %dma_start3A_38 = tpu.memref_squeeze %dma_start3A_37 : memref<1x128xi32, #tpu.memory_space<vmem>> -> memref<128xi32, #tpu.memory_space<vmem>>
    %dma_start3A_39 = arith.constant 0 : i32
    %dma_start3A_40 = arith.constant 0 : i32
    %dma_start3A_41 = tpu.memref_slice %arg3[%dma_start3A_39, %dma_start3A_40] : memref<507904x128xf32, #tpu.memory_space<hbm>> -> memref<507904x128xf32, #tpu.memory_space<hbm>>
    tpu.enqueue_indirect_dma source(%dma_start3A_41 : memref<507904x128xf32, #tpu.memory_space<hbm>>) target(%dma_start3A_35 : memref<128x128xf32, #tpu.memory_space<vmem>>) offsets(%dma_start3A_38 : memref<128xi32, #tpu.memory_space<vmem>>) semaphore(%arg7 : memref<!tpu.dma_semaphore, #tpu.memory_space<semaphore_mem>>)
    %dma_wait3A = arith.constant 0 : i32
    %dma_wait3A_42 = arith.constant 0 : i32
    %dma_wait3A_43 = arith.constant 0 : i32
    %dma_wait3A_44 = tpu.memref_slice %arg6[%dma_wait3A_42, %dma_wait3A_43] : memref<512x128xf32, #tpu.memory_space<vmem>> -> memref<128x128xf32, #tpu.memory_space<vmem>>
    %dma_wait3A_45 = arith.constant 0 : i32
    %dma_wait3A_46 = tpu.memref_slice %arg5[%dma_wait3A, %dma_wait3A_45] : memref<4x128xi32, #tpu.memory_space<vmem>> -> memref<1x128xi32, #tpu.memory_space<vmem>>
    %dma_wait3A_47 = tpu.memref_squeeze %dma_wait3A_46 : memref<1x128xi32, #tpu.memory_space<vmem>> -> memref<128xi32, #tpu.memory_space<vmem>>
    %dma_wait3A_48 = arith.constant 0 : i32
    %dma_wait3A_49 = arith.constant 0 : i32
    %dma_wait3A_50 = tpu.memref_slice %arg3[%dma_wait3A_48, %dma_wait3A_49] : memref<507904x128xf32, #tpu.memory_space<hbm>> -> memref<507904x128xf32, #tpu.memory_space<hbm>>
    tpu.wait_indirect_dma semaphore(%arg7 : memref<!tpu.dma_semaphore, #tpu.memory_space<semaphore_mem>>) src(%dma_wait3A_50 : memref<507904x128xf32, #tpu.memory_space<hbm>>) dst(%dma_wait3A_44 : memref<128x128xf32, #tpu.memory_space<vmem>>)
    %dma_wait3A_51 = arith.constant 1 : i32
    %dma_wait3A_52 = arith.constant 128 : i32
    %dma_wait3A_53 = arith.constant 0 : i32
    %dma_wait3A_54 = tpu.memref_slice %arg6[%dma_wait3A_52, %dma_wait3A_53] : memref<512x128xf32, #tpu.memory_space<vmem>> -> memref<128x128xf32, #tpu.memory_space<vmem>>
    %dma_wait3A_55 = arith.constant 0 : i32
    %dma_wait3A_56 = tpu.memref_slice %arg5[%dma_wait3A_51, %dma_wait3A_55] : memref<4x128xi32, #tpu.memory_space<vmem>> -> memref<1x128xi32, #tpu.memory_space<vmem>>
    %dma_wait3A_57 = tpu.memref_squeeze %dma_wait3A_56 : memref<1x128xi32, #tpu.memory_space<vmem>> -> memref<128xi32, #tpu.memory_space<vmem>>
    %dma_wait3A_58 = arith.constant 0 : i32
    %dma_wait3A_59 = arith.constant 0 : i32
    %dma_wait3A_60 = tpu.memref_slice %arg3[%dma_wait3A_58, %dma_wait3A_59] : memref<507904x128xf32, #tpu.memory_space<hbm>> -> memref<507904x128xf32, #tpu.memory_space<hbm>>
    tpu.wait_indirect_dma semaphore(%arg7 : memref<!tpu.dma_semaphore, #tpu.memory_space<semaphore_mem>>) src(%dma_wait3A_60 : memref<507904x128xf32, #tpu.memory_space<hbm>>) dst(%dma_wait3A_54 : memref<128x128xf32, #tpu.memory_space<vmem>>)
    %dma_wait3A_61 = arith.constant 2 : i32
    %dma_wait3A_62 = arith.constant 256 : i32
    %dma_wait3A_63 = arith.constant 0 : i32
    %dma_wait3A_64 = tpu.memref_slice %arg6[%dma_wait3A_62, %dma_wait3A_63] : memref<512x128xf32, #tpu.memory_space<vmem>> -> memref<128x128xf32, #tpu.memory_space<vmem>>
    %dma_wait3A_65 = arith.constant 0 : i32
    %dma_wait3A_66 = tpu.memref_slice %arg5[%dma_wait3A_61, %dma_wait3A_65] : memref<4x128xi32, #tpu.memory_space<vmem>> -> memref<1x128xi32, #tpu.memory_space<vmem>>
    %dma_wait3A_67 = tpu.memref_squeeze %dma_wait3A_66 : memref<1x128xi32, #tpu.memory_space<vmem>> -> memref<128xi32, #tpu.memory_space<vmem>>
    %dma_wait3A_68 = arith.constant 0 : i32
    %dma_wait3A_69 = arith.constant 0 : i32
    %dma_wait3A_70 = tpu.memref_slice %arg3[%dma_wait3A_68, %dma_wait3A_69] : memref<507904x128xf32, #tpu.memory_space<hbm>> -> memref<507904x128xf32, #tpu.memory_space<hbm>>
    tpu.wait_indirect_dma semaphore(%arg7 : memref<!tpu.dma_semaphore, #tpu.memory_space<semaphore_mem>>) src(%dma_wait3A_70 : memref<507904x128xf32, #tpu.memory_space<hbm>>) dst(%dma_wait3A_64 : memref<128x128xf32, #tpu.memory_space<vmem>>)
    %dma_wait3A_71 = arith.constant 3 : i32
    %dma_wait3A_72 = arith.constant 384 : i32
    %dma_wait3A_73 = arith.constant 0 : i32
    %dma_wait3A_74 = tpu.memref_slice %arg6[%dma_wait3A_72, %dma_wait3A_73] : memref<512x128xf32, #tpu.memory_space<vmem>> -> memref<128x128xf32, #tpu.memory_space<vmem>>
    %dma_wait3A_75 = arith.constant 0 : i32
    %dma_wait3A_76 = tpu.memref_slice %arg5[%dma_wait3A_71, %dma_wait3A_75] : memref<4x128xi32, #tpu.memory_space<vmem>> -> memref<1x128xi32, #tpu.memory_space<vmem>>
    %dma_wait3A_77 = tpu.memref_squeeze %dma_wait3A_76 : memref<1x128xi32, #tpu.memory_space<vmem>> -> memref<128xi32, #tpu.memory_space<vmem>>
    %dma_wait3A_78 = arith.constant 0 : i32
    %dma_wait3A_79 = arith.constant 0 : i32
    %dma_wait3A_80 = tpu.memref_slice %arg3[%dma_wait3A_78, %dma_wait3A_79] : memref<507904x128xf32, #tpu.memory_space<hbm>> -> memref<507904x128xf32, #tpu.memory_space<hbm>>
    tpu.wait_indirect_dma semaphore(%arg7 : memref<!tpu.dma_semaphore, #tpu.memory_space<semaphore_mem>>) src(%dma_wait3A_80 : memref<507904x128xf32, #tpu.memory_space<hbm>>) dst(%dma_wait3A_74 : memref<128x128xf32, #tpu.memory_space<vmem>>)
    "tpu.region"() ({
      %run_scoped3A = tpu.sem_alloc : memref<!tpu.dma_semaphore, #tpu.memory_space<semaphore_mem>>
      %dma_start3A_81 = arith.constant 0 : i32
      %dma_start3A_82 = tpu.memref_slice %arg4[%mul3A_2, %dma_start3A_81] : memref<16384x128xf32, #tpu.memory_space<hbm>> -> memref<512x128xf32, #tpu.memory_space<hbm>>
      %dma_start3A_83 = arith.constant 0 : i32
      %dma_start3A_84 = tpu.memref_slice %arg4[%mul3A_2, %dma_start3A_83] : memref<16384x128xf32, #tpu.memory_space<hbm>> -> memref<512x128xf32, #tpu.memory_space<hbm>>
      tpu.enqueue_dma source(%arg6 : memref<512x128xf32, #tpu.memory_space<vmem>>) target(%dma_start3A_84 : memref<512x128xf32, #tpu.memory_space<hbm>>) target_semaphore(%run_scoped3A : memref<!tpu.dma_semaphore, #tpu.memory_space<semaphore_mem>>)
      %dma_wait3A_85 = arith.constant 0 : i32
      %dma_wait3A_86 = tpu.memref_slice %arg4[%mul3A_2, %dma_wait3A_85] : memref<16384x128xf32, #tpu.memory_space<hbm>> -> memref<512x128xf32, #tpu.memory_space<hbm>>
      %dma_wait3A_87 = arith.constant 0 : i32
      %dma_wait3A_88 = tpu.memref_slice %arg4[%mul3A_2, %dma_wait3A_87] : memref<16384x128xf32, #tpu.memory_space<hbm>> -> memref<512x128xf32, #tpu.memory_space<hbm>>
      tpu.wait_dma2 semaphore(%run_scoped3A : memref<!tpu.dma_semaphore, #tpu.memory_space<semaphore_mem>>) src(%arg6 : memref<512x128xf32, #tpu.memory_space<vmem>>) dst(%dma_wait3A_88 : memref<512x128xf32, #tpu.memory_space<hbm>>)
      tpu.yield
    }) : () -> ()
    return
  }
}

module attributes {stable_mosaic.version = 14 : i64} {
  func.func @_transpose_body(%arg0: i32, %arg1: memref<64x32768xf32, #tpu.memory_space<vmem>>, %arg2: memref<16384x128xf32, #tpu.memory_space<vmem>>) attributes {dimension_semantics = [#tpu.dimension_semantics<arbitrary>], iteration_bounds = array<i64: 31>, scalar_prefetch = 0 : i64, scratch_operands = 0 : i64, tpu.core_type = #tpu.core_type<tc>, window_params = [{transform_indices = @transform_0, window_bounds = array<i64: 64, 32768>}, {transform_indices = @transform_1, window_bounds = array<i64: 16384, 128>}]} {
    %get3A = arith.constant 0 : index
    %get3A_0 = arith.constant 0 : index
    %get3A_1 = vector.load %arg1[%get3A, %get3A_0] : memref<64x32768xf32, #tpu.memory_space<vmem>>, vector<64x32768xf32>
    %transpose3A = tpu.transpose %get3A_1, [1, 0] : vector<64x32768xf32> -> vector<32768x64xf32>
    %slice3A = vector.extract_strided_slice %transpose3A {offsets = [0, 0], sizes = [16384, 64], strides = [1, 1]} : vector<32768x64xf32> to vector<16384x64xf32>
    %slice3A_2 = vector.extract_strided_slice %transpose3A {offsets = [16384, 0], sizes = [16384, 64], strides = [1, 1]} : vector<32768x64xf32> to vector<16384x64xf32>
    %concatenate3A = tpu.concatenate %slice3A, %slice3A_2 in 1 : vector<16384x64xf32>, vector<16384x64xf32> -> vector<16384x128xf32>
    %swap3A = arith.constant 0 : index
    %swap3A_3 = arith.constant 0 : index
    %swap3A_4 = vector.load %arg2[%swap3A, %swap3A_3] : memref<16384x128xf32, #tpu.memory_space<vmem>>, vector<16384x128xf32>
    tpu.vector_store %arg2[%swap3A, %swap3A_3], %concatenate3A {strides = array<i32>} : memref<16384x128xf32, #tpu.memory_space<vmem>>, vector<16384x128xf32>,
    return
  }
  func.func @transform_0(%arg0: i32) -> (i32, i32) {
    %c0_i32 = arith.constant 0 : i32
    %c0_i32_0 = arith.constant 0 : i32
    return %c0_i32, %arg0 : i32, i32
  }
  func.func @transform_1(%arg0: i32) -> (i32, i32) {
    %c0_i32 = arith.constant 0 : i32
    %c0_i32_0 = arith.constant 0 : i32
    return %arg0, %c0_i32 : i32, i32
  }
}

module attributes {stable_mosaic.version = 14 : i64} {
  func.func @_mlp_body(%arg0: i32, %arg1: memref<2048x128xf32, #tpu.memory_space<vmem>>, %arg2: memref<2048x1xi32, #tpu.memory_space<vmem>>, %arg3: memref<64x256xf32, #tpu.memory_space<vmem>>, %arg4: memref<1x256xf32, #tpu.memory_space<vmem>>, %arg5: memref<256x64xf32, #tpu.memory_space<vmem>>, %arg6: memref<1x64xf32, #tpu.memory_space<vmem>>, %arg7: memref<2048x64xf32, #tpu.memory_space<vmem>>) attributes {dimension_semantics = [#tpu.dimension_semantics<arbitrary>], iteration_bounds = array<i64: 8>, scalar_prefetch = 0 : i64, scratch_operands = 0 : i64, tpu.core_type = #tpu.core_type<tc>, window_params = [{transform_indices = @transform_0, window_bounds = array<i64: 2048, 128>}, {transform_indices = @transform_1, window_bounds = array<i64: 2048, 1>}, {pipeline_mode = #tpu.pipeline_mode<synchronous>, transform_indices = @transform_2, window_bounds = array<i64: 64, 256>}, {pipeline_mode = #tpu.pipeline_mode<synchronous>, transform_indices = @transform_3, window_bounds = array<i64: 1, 256>}, {pipeline_mode = #tpu.pipeline_mode<synchronous>, transform_indices = @transform_4, window_bounds = array<i64: 256, 64>}, {pipeline_mode = #tpu.pipeline_mode<synchronous>, transform_indices = @transform_5, window_bounds = array<i64: 1, 64>}, {transform_indices = @transform_6, window_bounds = array<i64: 2048, 64>}]} {
    %get3A = arith.constant 0 : index
    %get3A_0 = arith.constant 0 : index
    %get3A_1 = vector.load %arg2[%get3A, %get3A_0] : memref<2048x1xi32, #tpu.memory_space<vmem>>, vector<2048x1xi32>
    %convert_element_type3A = arith.sitofp %get3A_1 : vector<2048x1xi32> to vector<2048x1xf32>
    %get3A_2 = arith.constant 0 : index
    %get3A_3 = arith.constant 0 : index
    %get3A_4 = vector.load %arg1[%get3A_2, %get3A_3] : memref<2048x128xf32, #tpu.memory_space<vmem>>, vector<2048x64xf32>
    %get3A_5 = arith.constant 0 : index
    %get3A_6 = arith.constant 64 : index
    %get3A_7 = vector.load %arg1[%get3A_5, %get3A_6] : memref<2048x128xf32, #tpu.memory_space<vmem>>, vector<2048x64xf32>
    %sub3A = arith.constant 1.000000e+00 : f32
    %sub3A_8 = vector.broadcast %sub3A : f32 to vector<2048x1xf32>
    %sub3A_9 = arith.subf %sub3A_8, %convert_element_type3A : vector<2048x1xf32>
    %mul3A = vector.broadcast %sub3A_9 : vector<2048x1xf32> to vector<2048x64xf32>
    %mul3A_10 = arith.mulf %get3A_4, %mul3A : vector<2048x64xf32>
    %mul3A_11 = vector.broadcast %convert_element_type3A : vector<2048x1xf32> to vector<2048x64xf32>
    %mul3A_12 = arith.mulf %get3A_7, %mul3A_11 : vector<2048x64xf32>
    %add3A = arith.addf %mul3A_10, %mul3A_12 : vector<2048x64xf32>
    %get3A_13 = arith.constant 0 : index
    %get3A_14 = arith.constant 0 : index
    %get3A_15 = vector.load %arg3[%get3A_13, %get3A_14] : memref<64x256xf32, #tpu.memory_space<vmem>>, vector<64x256xf32>
    %dot_general3A = arith.constant dense<0.000000e+00> : vector<2048x256xf32>
    %dot_general3A_16 = tpu.matmul %add3A, %get3A_15, %dot_general3A {dimension_numbers = #tpu.dot_dimension_numbers<[1], [0], [0], [1], [0, 0, 1, 1], [], []>, transpose_lhs_hint = false} : vector<2048x64xf32>, vector<64x256xf32>, vector<2048x256xf32> -> vector<2048x256xf32>
    %get3A_17 = arith.constant 0 : index
    %get3A_18 = arith.constant 0 : index
    %get3A_19 = vector.load %arg4[%get3A_17, %get3A_18] : memref<1x256xf32, #tpu.memory_space<vmem>>, vector<1x256xf32>
    %add3A_20 = vector.broadcast %get3A_19 : vector<1x256xf32> to vector<2048x256xf32>
    %add3A_21 = arith.addf %dot_general3A_16, %add3A_20 : vector<2048x256xf32>
    %max3A = arith.constant 0.000000e+00 : f32
    %max3A_22 = vector.broadcast %max3A : f32 to vector<2048x256xf32>
    %max3A_23 = arith.maximumf %add3A_21, %max3A_22 : vector<2048x256xf32>
    %get3A_24 = arith.constant 0 : index
    %get3A_25 = arith.constant 0 : index
    %get3A_26 = vector.load %arg5[%get3A_24, %get3A_25] : memref<256x64xf32, #tpu.memory_space<vmem>>, vector<256x64xf32>
    %dot_general3A_27 = arith.constant dense<0.000000e+00> : vector<2048x64xf32>
    %dot_general3A_28 = tpu.matmul %max3A_23, %get3A_26, %dot_general3A_27 {dimension_numbers = #tpu.dot_dimension_numbers<[1], [0], [0], [1], [0, 0, 1, 1], [], []>, transpose_lhs_hint = false} : vector<2048x256xf32>, vector<256x64xf32>, vector<2048x64xf32> -> vector<2048x64xf32>
    %get3A_29 = arith.constant 0 : index
    %get3A_30 = arith.constant 0 : index
    %get3A_31 = vector.load %arg6[%get3A_29, %get3A_30] : memref<1x64xf32, #tpu.memory_space<vmem>>, vector<1x64xf32>
    %add3A_32 = vector.broadcast %get3A_31 : vector<1x64xf32> to vector<2048x64xf32>
    %add3A_33 = arith.addf %dot_general3A_28, %add3A_32 : vector<2048x64xf32>
    %swap3A = arith.constant 0 : index
    %swap3A_34 = arith.constant 0 : index
    %swap3A_35 = vector.load %arg7[%swap3A, %swap3A_34] : memref<2048x64xf32, #tpu.memory_space<vmem>>, vector<2048x64xf32>
    tpu.vector_store %arg7[%swap3A, %swap3A_34], %add3A_33 {strides = array<i32>} : memref<2048x64xf32, #tpu.memory_space<vmem>>, vector<2048x64xf32>,
    return
  }
  func.func @transform_0(%arg0: i32) -> (i32, i32) {
    %c0_i32 = arith.constant 0 : i32
    %c0_i32_0 = arith.constant 0 : i32
    return %arg0, %c0_i32 : i32, i32
  }
  func.func @transform_1(%arg0: i32) -> (i32, i32) {
    %c0_i32 = arith.constant 0 : i32
    %c0_i32_0 = arith.constant 0 : i32
    return %arg0, %c0_i32 : i32, i32
  }
  func.func @transform_2(%arg0: i32) -> (i32, i32) {
    %c0_i32 = arith.constant 0 : i32
    %c0_i32_0 = arith.constant 0 : i32
    %c0_i32_1 = arith.constant 0 : i32
    return %c0_i32, %c0_i32_0 : i32, i32
  }
  func.func @transform_3(%arg0: i32) -> (i32, i32) {
    %c0_i32 = arith.constant 0 : i32
    %c0_i32_0 = arith.constant 0 : i32
    %c0_i32_1 = arith.constant 0 : i32
    return %c0_i32, %c0_i32_0 : i32, i32
  }
  func.func @transform_4(%arg0: i32) -> (i32, i32) {
    %c0_i32 = arith.constant 0 : i32
    %c0_i32_0 = arith.constant 0 : i32
    %c0_i32_1 = arith.constant 0 : i32
    return %c0_i32, %c0_i32_0 : i32, i32
  }
  func.func @transform_5(%arg0: i32) -> (i32, i32) {
    %c0_i32 = arith.constant 0 : i32
    %c0_i32_0 = arith.constant 0 : i32
    %c0_i32_1 = arith.constant 0 : i32
    return %c0_i32, %c0_i32_0 : i32, i32
  }
  func.func @transform_6(%arg0: i32) -> (i32, i32) {
    %c0_i32 = arith.constant 0 : i32
    %c0_i32_0 = arith.constant 0 : i32
    return %arg0, %c0_i32 : i32, i32
  }
}

</mosaic_0001>

<sc_bundles>
// kernel: kernel.5.cloned.1.call-start
scs
__scs_entry_jumppad:
0x0: {  	(pc) =	sbr.rel $0x88, $3  }
0x1: {  	(tag) =	ssettag $0x0;
	lr =	simm.s32 $0x1  }
0x2: {  	[smem:$0x3F9B] =	sst lr;
	_ =	strace $0xD0000000  }
0x3: {  	_ = 	snop  }
0x4: {  	_ = 	snop  }
0x5: {  	_ = 	snop  }
0x6: {  	_ = 	snop  }
0x7: {  	_ = 	snop  }
__scs_overlays_trampoline_lowered:
0x8: {  	[smem:$0x3FAA] =	sst s0  }
0x9: {  	[smem:$0x3FAB] =	sst s1  }
0xa: {  	[smem:$0x3FAC] =	sst s2  }
0xb: {  	[smem:$0x3FAD] =	sst s3  }
0xc: {  	[smem:$0x3FAE] =	sst s4  }
0xd: {  	[smem:$0x3FAF] =	sst s5  }
0xe: {  	[smem:$0x3FB0] =	sst s6  }
0xf: {  	[smem:$0x3FB1] =	sst s7  }
0x10: {  	[smem:$0x3FB2] =	sst s8  }
0x11: {  	[smem:$0x3FB3] =	sst s9;
	s0 =	simm.s32 @!p0 $0x0  }
0x12: {  	s1 =	sld [smem:$0x3F99];
	s0 =	simm.s32 @p0 $0x1  }
0x13: {  	[smem:$0x3FB4] =	sst s0;
	s0 =	simm.s32 @!p1 $0x0  }
0x14: {  	s2 =	sld [smem:$0x3F98];
	s0 =	simm.s32 @p1 $0x1  }
0x15: {  	[smem:$0x3FB5] =	sst s0;
	s0 =	simm.s32 @!p2 $0x0  }
0x16: {  	s3 =	sld [smem:$0x3FDB];
	s0 =	simm.s32 @p2 $0x1  }
0x17: {  	s4 =	simm.s32 $0x1BF5;
	[smem:$0x3FB7] =	sst s0  }
0x18: {  	s0 =	sld [smem:$0x3F9A];
	_ =	swait.ge [sflag:s4], $0x0  }
0x19: {  	s7 =	sld [smem:$0x3F9B]  }
0x1a: {  	s8 =	sadd.s32 $0xFFFFE003, lr  }
0x1b: {  	s9 =	sadd.s32 $0xFFFFFEF7, lr;
	s5 =	simm.s32 $0xFFFFFFFF;
	p2 =	slt.u32 s8, $0xFFFFF086  }
0x1c: {  	p1 =	slt.u32 s9, $0xF7A;
	s5 =	simm.s32 @!p2 $0x0  }
0x1d: {  	s5 =	simm.s32 @p1 $0x1;
	p0 =	seq.s32 s7, s2  }
0x1e: {  	s7 =	smul.u32 @!p0 $0xF7A, s2;
	p2 =	seq.s32 @!p0 s5, $0x0  }
0x1f: {  	s9 =	smul.u32 $0xF7A, s1;
	s8 =	simm.s32 @!p0 $0x1BF5;
	p2 =	por !p2, p0  }
0x20: {  	[sflag:s8] =	ssyncset.s32 @!p0 $0xFFFFF086;
	s6 =	sadd.s32 @!p0 s3, s7;
	s7 =	simm.s32 @!p0 $0x108  }
0x21: {  	s3 =	sadd.s32 s3, s9;
	s6 =	sadd.s32 @!p0 $0x88, s6;
	s7 =	simm.s32 @p2 $0x1082  }
0x22: {  	[simem:s7], [sflag:s8] =	dma.local @!p0 [hbm:s6], $0xF7A  }
0x23: {  	s9 =	sor.u32 $0xD0000000, s2;
	s6 =	simm.s32 $0x108;
	_ =	swait.ge @!p0 [sflag:s8], $0x0  }
0x24: {  	s3 =	sadd.s32 $0x88, s3;
	s6 =	simm.s32 @!p1 $0x1082;
	[sflag:s4] =	ssyncset.s32 $0xFFFFF086  }
0x25: {  	[simem:s6], [sflag:s4] =	dma.local [hbm:s3], $0xF7A  }
0x26: {  	[smem:$0x3F9B] =	sst s1;
	(tag) =	ssettag s2;
	_ =	strace s9  }
0x27: {  	s1 =	sld [smem:$0x3FAB]  }
0x28: {  	s2 =	sld [smem:$0x3FAC]  }
0x29: {  	s4 =	sld [smem:$0x3FAE]  }
0x2a: {  	p0 =	seq.s32 s5, $0x0;
	s5 =	sld [smem:$0x3FAF]  }
0x2b: {  	s6 =	sld [smem:$0x3FB0]  }
0x2c: {  	s7 =	sld [smem:$0x3FB1]  }
0x2d: {  	s3 =	simm.s32 $0x108;
	s8 =	sld [smem:$0x3FB2]  }
0x2e: {  	s3 =	simm.s32 @!p0 $0x1082;
	s9 =	sld [smem:$0x3FB3]  }
0x2f: {  	lr =	sadd.s32 s0, s3;
	s0 =	sld [smem:$0x3FAA]  }
0x30: {  	s3 =	sld [smem:$0x3FAD]  }
0x31: {  	[smem:$0x3FB6] =	sst s10  }
0x32: {  	s10 =	sld [smem:$0x3FB4];
	_ =	sdelay $0x3  }
0x33: {  	p0 =	seq.s32 s10, $0x1;
	s10 =	sld [smem:$0x3FB6];
	_ =	sdelay $0x3  }
0x34: {  	[smem:$0x3FB6] =	sst s10  }
0x35: {  	s10 =	sld [smem:$0x3FB5];
	_ =	sdelay $0x3  }
0x36: {  	p1 =	seq.s32 s10, $0x1;
	s10 =	sld [smem:$0x3FB6];
	_ =	sdelay $0x3  }
0x37: {  	[smem:$0x3FB6] =	sst s10  }
0x38: {  	s10 =	sld [smem:$0x3FB7]  }
0x39: {  	_ = 	snop;
	(pc) =	sbr.ind lr, $3  }
0x3a: {  	_ = 	snop  }
0x3b: {  	_ = 	snop  }
0x3c: {  	p2 =	seq.s32 s10, $0x1;
	s10 =	sld [smem:$0x3FB6]  }
0x3d: {  	_ =	shalt  }
0x3e: {  	_ =	shalt  }
0x3f: {  	_ =	shalt  }
0x40: {  	_ =	shalt  }
0x41: {  	_ =	shalt  }
0x42: {  	_ =	shalt  }
0x43: {  	_ =	shalt  }
0x44: {  	_ =	shalt  }
0x45: {  	_ =	shalt  }
0x46: {  	_ =	shalt  }
0x47: {  	_ =	shalt  }
0x48: {  	_ =	shalt  }
0x49: {  	_ =	shalt  }
0x4a: {  	_ =	shalt  }
0x4b: {  	_ =	shalt  }
0x4c: {  	_ =	shalt  }
0x4d: {  	_ =	shalt  }
0x4e: {  	_ =	shalt  }
0x4f: {  	_ =	shalt  }
0x50: {  	_ =	shalt  }
0x51: {  	_ =	shalt  }
0x52: {  	_ =	shalt  }
0x53: {  	_ =	shalt  }
0x54: {  	_ =	shalt  }
0x55: {  	_ =	shalt  }
0x56: {  	_ =	shalt  }
0x57: {  	_ =	shalt  }
0x58: {  	_ =	shalt  }
0x59: {  	_ =	shalt  }
0x5a: {  	_ =	shalt  }
0x5b: {  	_ =	shalt  }
0x5c: {  	_ =	shalt  }
0x5d: {  	_ =	shalt  }
0x5e: {  	_ =	shalt  }
0x5f: {  	_ =	shalt  }
0x60: {  	_ =	shalt  }
0x61: {  	_ =	shalt  }
0x62: {  	_ =	shalt  }
0x63: {  	_ =	shalt  }
0x64: {  	_ =	shalt  }
0x65: {  	_ =	shalt  }
0x66: {  	_ =	shalt  }
0x67: {  	_ =	shalt  }
0x68: {  	_ =	shalt  }
0x69: {  	_ =	shalt  }
0x6a: {  	_ =	shalt  }
0x6b: {  	_ =	shalt  }
0x6c: {  	_ =	shalt  }
0x6d: {  	_ =	shalt  }
0x6e: {  	_ =	shalt  }
0x6f: {  	_ =	shalt  }
0x70: {  	_ =	shalt  }
0x71: {  	_ =	shalt  }
0x72: {  	_ =	shalt  }
0x73: {  	_ =	shalt  }
0x74: {  	_ =	shalt  }
0x75: {  	_ =	shalt  }
0x76: {  	_ =	shalt  }
0x77: {  	_ =	shalt  }
0x78: {  	_ =	shalt  }
0x79: {  	_ =	shalt  }
0x7a: {  	_ =	shalt  }
0x7b: {  	_ =	shalt  }
0x7c: {  	_ =	shalt  }
0x7d: {  	_ =	shalt  }
0x7e: {  	_ =	shalt  }
0x7f: {  	_ =	shalt  }
0x80: {  	_ =	shalt  }
0x81: {  	_ =	shalt  }
0x82: {  	_ =	shalt  }
0x83: {  	_ =	shalt  }
0x84: {  	_ =	shalt  }
0x85: {  	_ =	shalt  }
0x86: {  	_ =	shalt  }
0x87: {  	_ =	shalt  }
.Lfunc_end0:
.L_simem_size_0:
called_computation_lowered:
.L_overlay_start_0:
0x88: {  	s2 =	sld [smem:$0x3FD9]  }
0x89: {  	s3 =	sld [smem:$0x3FFE];
	_ =	sdelay $0x1  }
0x8a: {  	s1 =	srdreg.scid  }
0x8b: {  	s0 =	sand.u32 $0x1, s1  }
0x8c: {  	s17 =	sshll.u32 s0, $0xA;
	s2 =	sadd.s32 s3, s2  }
0x8d: {  	s2 =	sadd.s32 s2, s17  }
0x8e: {  	[smem:$0x3FC2] =	sst s2  }
0x8f: {  	_ = 	snop  }
0x90: {  	s2 =	sld [smem:$0x3FD0];
	(tm) =	ssettm $0x1  }
0x91: {  	s18 =	sld [smem:$0x3FFB];
	_ =	sdelay $0x3  }
0x92: {  	_ =	strace s18  }
0x93: {  	s3 =	sld [smem:$0x3FFC];
	_ =	sdelay $0x3  }
0x94: {  	_ =	strace s3  }
0x95: {  	s3 =	sld [smem:$0x3FFD];
	_ =	sdelay $0x3  }
0x96: {  	_ =	strace s3  }
0x97: {  	_ =	strace $0x8FFFFFFF  }
0x98: {  	s19 =	sld [smem:$0x3FDB];
	_ =	sdelay $0x1  }
0x99: {  	s4 =	simm.s32 $_scs_section_size  }
0x9a: {  	s5 =	simm.s32 $_size__tile_overlayer_lowered;
	s6 =	simm.s32 $_tile_overlayer_lowered  }
0x9b: {  	s22 =	simm.s32 $0x1BFF;
	s21 =	sshll.u32 s6, $0x1;
	s3 =	sadd.s32 s4, s19  }
0x9c: {  	s7 =	simm.s32 $0x0;
	s20 =	sshll.u32 s5, $0x1;
	s5 =	sadd.s32 s21, s3  }
0x9d: {  	[timem:s7], [sflag:s22] =	dma.local [hbm:s5], s20  }
0x9e: {  	_ =	swait.ge [sflag:s22], s20  }
0x9f: {  	s4 =	ssub.s32 $0x0, s20;
	[sflag:s22] =	ssyncset.done $0x0  }
0xa0: {  	[sflag:s22] =	ssyncadd.s32 s4;
	_ =	sdelay $0x1  }
0xa1: {  	s23 =	simm.s32 $0x1B8B  }
0xa2: {  	_ =	swait.ge [sflag:s23], $0x1  }
0xa3: {  	[sflag:s23] =	ssyncset.done $0x0  }
0xa4: {  	s25 =	simm.s32 $0x1B8E;
	s24 =	sld [smem:$0x3FFE];
	[sflag:s23] =	ssyncadd.s32 $0xFFFFFFFF  }
0xa5: {  	s26 =	simm.s32 $execute0_lowered;
	[smem:$0x3FD2] =	sst s25  }
0xa6: {  	s5 =	sshll.u32 s26, $0x1;
	_ =	strace $0x80000046;
	[dreg:$0x1] =	wrdreg $0xFFFFFFFF  }
0xa7: {  	s28 =	simm.s32 $_size_execute0_lowered;
	s3 =	sadd.s32 s3, s5;
	[dreg:$0x0] =	wrdreg $0x0  }
0xa8: {  	s5 =	sshll.u32 s28, $0x1;
	[dreg:$0x2] =	wrdreg s3  }
0xa9: {  	[dreg:$0x3] =	wrdreg s5  }
0xaa: {  	[dreg:$0x4] =	wrdreg $0xC0  }
0xab: {  	_ =	task [dreg:s7], $0x5FFFF  }
0xac: {  	[dreg:$0x1] =	wrdreg $0xFFFFFFFF  }
0xad: {  	[dreg:$0x0] =	wrdreg $0x60  }
0xae: {  	[dreg:$0x2] =	wrdreg s2  }
0xaf: {  	[dreg:$0x3] =	wrdreg s24  }
0xb0: {  	[dreg:$0x4] =	wrdreg $0x9  }
0xb1: {  	_ =	task.clear_ibuf [dreg:s7], $0x5FFFF;
	_ =	strace $0x90000046  }
0xb2: {  	s29 =	simm.s32 $0x9;
	_ =	strace $0x80000048  }
0xb3: {  	_ =	swait.ge [sflag:s29], $0x1  }
0xb4: {  	[sflag:s29] =	ssyncadd.s32 $0xFFFFFFFF  }
0xb5: {  	_ =	strace $0x90000048  }
0xb6: {  	_ =	sfence  }
0xb7: {  	s30 =	sld [smem:$0x0];
	_ =	sdelay $0x2  }
0xb8: {  	s31 =	sshll.u32 s1, $0xD;
	s1 =	sshrl.u32 s1, $0x2  }
0xb9: {  	s3 =	sand.u32 $0x4000, s31;
	s1 =	sadd.s32 s1, s30  }
0xba: {  	s0 =	sor.u32 s3, s0;
	s1 =	sshll.u32 s1, $0x11  }
0xbb: {  	s0 =	sor.u32 s1, s0  }
0xbc: {  	s0 =	sadd.s32 $0x8F2B, s0  }
0xbd: {  	[sflag:s0] =	ssyncadd.remote.s32 $0x1  }
0xbe: {  	_ =	sfence.sel $0xFFFF  }
0xbf: {  	[dreg:$0x0] =	wrdreg $0xFFFFFFFF;
	(pc) =	sbr.abs _section_cstart, $3  }
0xc0: {  	[dreg:$0x1] =	wrdreg $0xFFFFFFFF  }
0xc1: {  	_ =	task.clear_ibuf [dreg:s7], $0x2FFFF;
	_ =	strace $0x9FFFFFFF  }
0xc2: {  	(tm) =	ssettm $0x7FFFFFFF  }
0xc3: {  	_ =	shalt  }
tec
execute0_lowered:
.L_overlay_start_1:
0x0: {  	(tag) =	ssettag $0x1  }
0x1: {  	s1 =	srdreg.scid  }
0x2: {  	s3 =	rddreg [dreg:$0x0];
	s0 =	stileid.u32;
	s14 =	sand.u32 $0x1, s1  }
0x3: {  	s15 =	rddreg [dreg:$0x1];
	s4 =	sshll.u32 s0, $0xA;
	s5 =	sshll.u32 s14, $0x9  }
0x4: {  	s2 =	simm.s32 $0x0;
	s1 =	rddreg [dreg:$0x2];
	s16 =	sor.u32 s5, s4  }
0x5: {  	[smem:$0x7FF] =	sst s2;
	s4 =	sshrl.u32 s16, $0x3  }
0x6: {  	_ =	strace $0x80000047;
	s4 =	sadd.s32 s3, s4;
	s3 =	simm.s32 $0x2  }
0x7: {  	[tilespmem:s2], [sflag:$0x2] =	stream.linear.gather [hbm4b:s4+s2], $0x200, $0x38;
	[tilespmem:$0x10200] =	vst v63  }
0x8: {  	_ =	swait.ge [sflag:s3], $0x200  }
0x9: {  	s6 =	simm.s32 $0x80;
	[sflag:s3] =	ssyncset.done $0x0  }
0xa: {  	s7 =	simm.s32 $0x200;
	s5 =	sadd.s32 $0x1000, s15;
	[sflag:s3] =	ssyncadd.s32 $0xFFFFFE00  }
0xb: {  	[tilespmem:s7], [sflag:$0x1] =	stream.indirect.gather [hbm4b:s5+s6], $0x80, s2, s6, $0xb8;
	[tilespmem:$0x10200] =	vst v63  }
0xc: {  	s8 =	simm.s32 $0x4200  }
0xd: {  	[tilespmem:s8], [sflag:$0x1] =	stream.indirect.gather [hbm4b:s5+s6], $0x80, s6, s6, $0xb8;
	[tilespmem:$0x10200] =	vst v63  }
0xe: {  	s9 =	simm.s32 $0x100;
	s10 =	simm.s32 $0x8200  }
0xf: {  	[tilespmem:s10], [sflag:$0x1] =	stream.indirect.gather [hbm4b:s5+s6], $0x80, s9, s6, $0xb8;
	[tilespmem:$0x10200] =	vst v63  }
0x10: {  	s11 =	simm.s32 $0x180;
	s12 =	simm.s32 $0xC200;
	s13 =	simm.s32 $0x1  }
0x11: {  	[tilespmem:s12], [sflag:$0x1] =	stream.indirect.gather [hbm4b:s5+s6], $0x80, s11, s6, $0xb8;
	[tilespmem:$0x10200] =	vst v63  }
0x12: {  	_ =	swait.ge [sflag:s13], $0x4000  }
0x13: {  	[sflag:s13] =	ssyncset.done $0x0  }
0x14: {  	[sflag:s13] =	ssyncadd.s32 $0xFFFFC000  }
0x15: {  	_ =	swait.ge [sflag:s13], $0x4000  }
0x16: {  	[sflag:s13] =	ssyncset.done $0x0  }
0x17: {  	s14 =	ssub.s32 $0x2, s14;
	[sflag:s13] =	ssyncadd.s32 $0xFFFFC000  }
0x18: {  	s17 =	sshrl.u32 s14, $0x1;
	_ =	swait.ge [sflag:s13], $0x4000  }
0x19: {  	s30 =	ssub.s32 s14, s17;
	[sflag:s13] =	ssyncset.done $0x0  }
0x1a: {  	s31 =	smax.u32 s30, $0x1;
	[sflag:s13] =	ssyncadd.s32 $0xFFFFC000  }
0x1b: {  	s16 =	sshll.u32 s16, $0x4;
	p0 =	sne.s32 s31, $0x1;
	_ =	swait.ge [sflag:s13], $0x4000  }
.Ltmp0:
0x1c: {  	s15 =	sadd.s32 s16, s15;
	[sflag:s13] =	ssyncset.done $0x0;
	(pc) =	sbr.rel @!p0 .LBB2_2-.Ltmp0, $4  }
0x1d: {  	s14 =	sadd.s32 $0x7C1000, s15;
	[sflag:s13] =	ssyncadd.s32 $0xFFFFC000  }
0x1e: {  	[hbm4b:s14+s2] =	stream.linear.scatter [tilespmem:s7], [sflag:$0x2], $0x10000, $0x38;
	[tilespmem:$0x10200] =	vst v63  }
0x1f: {  	_ =	swait.ge [sflag:s3], $0x10000  }
0x20: {  	s15 =	sadd.s32 $0xFFFFFFFF, s31;
	[sflag:s3] =	ssyncset.done $0x0  }
.LBB2_1:
0x21: {  	p0 =	sne.s32 s15, $0x1;
	s15 =	sadd.s32 $0xFFFFFFFF, s15;
	[sflag:s3] =	ssyncadd.s32 $0xFFFF0000  }
0x22: {  	[tilespmem:s2], [sflag:$0x2] =	stream.linear.gather [hbm4b:s4+s2], $0x200, $0x38;
	[tilespmem:$0x10200] =	vst v63  }
0x23: {  	_ =	swait.ge [sflag:s3], $0x200  }
0x24: {  	[sflag:s3] =	ssyncset.done $0x0  }
0x25: {  	[sflag:s3] =	ssyncadd.s32 $0xFFFFFE00  }
0x26: {  	[tilespmem:s7], [sflag:$0x1] =	stream.indirect.gather [hbm4b:s5+s6], $0x80, s2, s6, $0xb8;
	[tilespmem:$0x10200] =	vst v63  }
0x27: {  	_ = 	snop  }
0x28: {  	[tilespmem:s8], [sflag:$0x1] =	stream.indirect.gather [hbm4b:s5+s6], $0x80, s6, s6, $0xb8;
	[tilespmem:$0x10200] =	vst v63  }
0x29: {  	_ = 	snop  }
0x2a: {  	[tilespmem:s10], [sflag:$0x1] =	stream.indirect.gather [hbm4b:s5+s6], $0x80, s9, s6, $0xb8;
	[tilespmem:$0x10200] =	vst v63  }
0x2b: {  	_ = 	snop  }
0x2c: {  	[tilespmem:s12], [sflag:$0x1] =	stream.indirect.gather [hbm4b:s5+s6], $0x80, s11, s6, $0xb8;
	[tilespmem:$0x10200] =	vst v63  }
0x2d: {  	_ =	swait.ge [sflag:s13], $0x4000  }
0x2e: {  	[sflag:s13] =	ssyncset.done $0x0  }
0x2f: {  	[sflag:s13] =	ssyncadd.s32 $0xFFFFC000  }
0x30: {  	_ =	swait.ge [sflag:s13], $0x4000  }
0x31: {  	[sflag:s13] =	ssyncset.done $0x0  }
0x32: {  	[sflag:s13] =	ssyncadd.s32 $0xFFFFC000  }
0x33: {  	_ =	swait.ge [sflag:s13], $0x4000  }
0x34: {  	[sflag:s13] =	ssyncset.done $0x0  }
0x35: {  	[sflag:s13] =	ssyncadd.s32 $0xFFFFC000  }
0x36: {  	_ =	swait.ge [sflag:s13], $0x4000  }
.Ltmp1:
0x37: {  	[sflag:s13] =	ssyncset.done $0x0;
	(pc) =	sbr.rel @p0 .LBB2_1-.Ltmp1, $4  }
0x38: {  	[sflag:s13] =	ssyncadd.s32 $0xFFFFC000  }
0x39: {  	[hbm4b:s14+s2] =	stream.linear.scatter [tilespmem:s7], [sflag:$0x2], $0x10000, $0x38;
	[tilespmem:$0x10200] =	vst v63  }
0x3a: {  	_ =	swait.ge [sflag:s3], $0x10000  }
0x3b: {  	[sflag:s3] =	ssyncset.done $0x0  }
.LBB2_2:
0x3c: {  	[sflag:s3] =	ssyncadd.s32 $0xFFFF0000  }
0x3d: {  	_ =	sfence.sel $0x180000  }
0x3e: {  	[bflag:$0x0] =	sbarrier.arrive $0xFFFF  }
0x3f: {  	p0 =	sne.s32 s0, $0x0;
	_ =	strace $0x90000047  }
0x40: {  	s0 =	sadd.s32 @!p0 $0x100000, s1;
	[bflag:$0x2] =	sbarrier.arrive $0xFFFF  }
0x41: {  	[sflag:s0] =	ssyncadd.tile.s32 @!p0 $0x1;
	_ =	shalt  }
.Lfunc_end2:
_tile_overlayer_lowered:
.L_overlay_start_2:
0x42: {  	(tag) =	ssettag $0x2  }
0x43: {  	s0 =	rddreg [dreg:$0x0];
	s2 =	stileid.u32  }
0x44: {  	s1 =	rddreg [dreg:$0x1];
	p0 =	sne.s32 s2, $0x0  }
0x45: {  	s3 =	rddreg [dreg:$0x2];
	[bflag:$0x3] =	sbarrier.arrive $0xFFFF;
	s2 =	simm.s32 @!p0 $0x1C02  }
0x46: {  	[timem:s3], [sflag:s2] =	dma.local @!p0 [hbm:s0], s1  }
0x47: {  	s0 =	simm.s32 @!p0 $0x2  }
0x48: {  	_ =	swait.ge @!p0 [sflag:s0], s1  }
0x49: {  	s1 =	ssub.s32 @!p0 $0x0, s1;
	[sflag:s0] =	ssyncset.done @!p0 $0x0  }
0x4a: {  	[sflag:s0] =	ssyncadd.s32 @!p0 s1  }
0x4b: {  	[bflag:$0x3] =	sbarrier.arrive $0xFFFF  }
0x4c: {  	_ =	shalt  }

</sc_bundles>
